<compile_context>
chip_gen: v7x
topology: tpu7x:2x2x1
jax: 0.10.2.dev20260603
libtpu: 0.0.44.dev20260713+nightly
codegen_flags: <defaults>
</compile_context>

<pallas_src>
import functools

import jax
import jax.numpy as jnp
from jax.experimental import pallas as pl
from jax.experimental.pallas import tpu as pltpu

_ANCHORS = [[116.0, 90.0], [156.0, 198.0], [373.0, 326.0]]
_NUM_ANCHORS = 3
_NUM_CLASSES = 80


def _head_kernel(stride_ref, x_ref, o_ref, scr_ref, *, g, ch, nA, P):
    a = pl.program_id(1)
    stride = stride_ref[0]
    gshift = g.bit_length() - 1

    @pl.when(a == 0)
    def _():
        scr_ref[...] = x_ref[0].T

    p2 = jax.lax.broadcasted_iota(jnp.int32, (2, P), 1)
    gx = jnp.bitwise_and(p2, g - 1).astype(jnp.float32)
    gy = (p2 >> gshift).astype(jnp.float32)
    row2 = jax.lax.broadcasted_iota(jnp.int32, (2, P), 0)
    gxy = jnp.where(row2 == 0, gx, gy)

    for i in range(nA):

        @pl.when(a == i)
        def _(i=i):
            v = scr_ref[i * ch:(i + 1) * ch, :]
            en = jnp.exp(-v)
            sig = 1.0 / (1.0 + en)
            o_ref[...] = sig
            alt01 = (sig[0:2] + gxy) * stride
            anch = jnp.where(row2 == 0, _ANCHORS[i][0], _ANCHORS[i][1])
            alt23 = anch / en[2:4]
            o_ref[0:2, :] = alt01
            o_ref[2:4, :] = alt23


def kernel(x, img_size):
    nA = _NUM_ANCHORS
    nC = _NUM_CLASSES
    B = x.shape[0]
    g = x.shape[2]
    ch = nC + 5
    P = g * g
    xt = jnp.transpose(x, (0, 2, 3, 1)).reshape(B, P, nA * ch)
    stride = (jnp.asarray(img_size, dtype=jnp.float32) / g).reshape(1)

    out = pl.pallas_call(
        functools.partial(_head_kernel, g=g, ch=ch, nA=nA, P=P),
        grid=(B, nA),
        in_specs=[
            pl.BlockSpec(memory_space=pltpu.SMEM),
            pl.BlockSpec((1, P, nA * ch), lambda b, a: (b, 0, 0)),
        ],
        out_specs=pl.BlockSpec((ch, P), lambda b, a: (0, b * nA + a)),
        out_shape=jax.ShapeDtypeStruct((ch, B * nA * P), jnp.float32),
        scratch_shapes=[pltpu.VMEM((nA * ch, P), jnp.float32)],
    )(stride, xt)
    return jnp.transpose(out.reshape(ch, B, nA * P), (1, 2, 0))

# --- scband reference (transcript-rebuilt; emitter-appended) ---
"""Pipeline reference for scband-predict-layer-21182778703989 (READ-ONLY COPY).

The authoritative reference and input builder live on the scoring server;
editing this copy changes nothing except your own understanding.
"""

import jax, jax.numpy as jnp
import numpy as np

ANCHORS = jnp.array([[116.0, 90.0], [156.0, 198.0], [373.0, 326.0]], dtype=jnp.float32)
NUM_ANCHORS = 3
NUM_CLASSES = 80


def setup_inputs(seed: int = 0) -> dict:
    key = jax.random.key(seed)
    x = jax.random.normal(key, (16, NUM_ANCHORS * (NUM_CLASSES + 5), 64, 64), dtype=jnp.float32)
    return {"x": x, "img_size": 512}


def reference(x, img_size):
    nA = NUM_ANCHORS
    nC = NUM_CLASSES
    B = x.shape[0]
    g = x.shape[2]
    prediction = x.reshape(B, nA, nC + 5, g, g).transpose(0, 1, 3, 4, 2)
    px = jax.nn.sigmoid(prediction[..., 0])
    py = jax.nn.sigmoid(prediction[..., 1])
    w = prediction[..., 2]
    h = prediction[..., 3]
    pred_conf = jax.nn.sigmoid(prediction[..., 4])
    pred_cls = jax.nn.sigmoid(prediction[..., 5:])
    stride = jnp.asarray(img_size, dtype=jnp.float32) / g
    # grid_x[..., j, i] = i ; grid_y[..., j, i] = j  (matches torch repeat/t pattern)
    grid_x = jnp.arange(g, dtype=jnp.float32).reshape(1, 1, 1, g)
    grid_y = jnp.arange(g, dtype=jnp.float32).reshape(1, 1, g, 1)
    scaled_anchors = ANCHORS / stride
    anchor_w = scaled_anchors[:, 0].reshape(1, nA, 1, 1)
    anchor_h = scaled_anchors[:, 1].reshape(1, nA, 1, 1)
    # torch uses .data (detached) when building pred_boxes -> stop_gradient
    pb0 = jax.lax.stop_gradient(px) + grid_x
    pb1 = jax.lax.stop_gradient(py) + grid_y
    pb2 = jnp.exp(jax.lax.stop_gradient(w)) * anchor_w
    pb3 = jnp.exp(jax.lax.stop_gradient(h)) * anchor_h
    pred_boxes = jnp.stack([pb0, pb1, pb2, pb3], axis=-1)
    output = jnp.concatenate(
        [
            pred_boxes.reshape(B, -1, 4) * stride,
            pred_conf.reshape(B, -1, 1),
            pred_cls.reshape(B, -1, nC),
        ],
        axis=-1,
    )
    # torch returns (output, 0) when targets is None; loss scalar is a constant 0
    return output

if __name__ == "__main__":
    import jax
    _d = setup_inputs()
    print(jax.jit(kernel)(*tuple(_d.values())))

</pallas_src>

<mosaic_0001>
module attributes {stable_mosaic.version = 14 : i64} {
  func.func @_head_kernel(%arg0: i32, %arg1: i32, %arg2: memref<1xf32, #tpu.memory_space<smem>>, %arg3: memref<1x4096x255xf32, #tpu.memory_space<vmem>>, %arg4: memref<85x4096xf32, #tpu.memory_space<vmem>>, %arg5: memref<255x4096xf32, #tpu.memory_space<vmem>>) attributes {dimension_semantics = [#tpu.dimension_semantics<arbitrary>, #tpu.dimension_semantics<arbitrary>], iteration_bounds = array<i64: 16, 3>, scalar_prefetch = 0 : i64, scratch_operands = 1 : i64, tpu.core_type = #tpu.core_type<tc>, window_params = [{transform_indices = @transform_0, window_bounds = array<i64: 1>}, {transform_indices = @transform_1, window_bounds = array<i64: 1, 4096, 255>}, {transform_indices = @transform_2, window_bounds = array<i64: 85, 4096>}]} {
    %get3A = arith.constant 0 : index
    %get3A_0 = memref.load %arg2[%get3A] : memref<1xf32, #tpu.memory_space<smem>>
    %eq3A = arith.constant 0 : i32
    %eq3A_1 = arith.cmpi eq, %arg1, %eq3A : i32
    %convert_element_type3A = arith.extui %eq3A_1 : i1 to i32
    %cond3A = arith.constant 0 : i32
    %cond3A_2 = arith.cmpi ne, %convert_element_type3A, %cond3A : i32
    scf.if %cond3A_2 {
      %get3A_28 = arith.constant 0 : index
      %get3A_29 = arith.constant 0 : index
      %get3A_30 = arith.constant 0 : index
      %get3A_31 = vector.load %arg3[%get3A_28, %get3A_29, %get3A_30] : memref<1x4096x255xf32, #tpu.memory_space<vmem>>, vector<1x4096x255xf32>
      %get3A_32 = vector.shape_cast %get3A_31 : vector<1x4096x255xf32> to vector<4096x255xf32>
      %transpose3A = tpu.transpose %get3A_32, [1, 0] : vector<4096x255xf32> -> vector<255x4096xf32>
      %swap3A = arith.constant 0 : index
      %swap3A_33 = arith.constant 0 : index
      %swap3A_34 = vector.load %arg5[%swap3A, %swap3A_33] : memref<255x4096xf32, #tpu.memory_space<vmem>>, vector<255x4096xf32>
      tpu.vector_store %arg5[%swap3A, %swap3A_33], %transpose3A {strides = array<i32>} : memref<255x4096xf32, #tpu.memory_space<vmem>>, vector<255x4096xf32>,
    } else {
    }
    %iota3A = tpu.iota {dimensions = array<i32: 1>} : vector<2x4096xi32>
    %and3A = arith.constant 63 : i32
    %and3A_3 = vector.broadcast %and3A : i32 to vector<2x4096xi32>
    %and3A_4 = arith.andi %iota3A, %and3A_3 : vector<2x4096xi32>
    %convert_element_type3A_5 = arith.sitofp %and3A_4 : vector<2x4096xi32> to vector<2x4096xf32>
    %shift_right_arithmetic3A = arith.constant 6 : i32
    %shift_right_arithmetic3A_6 = vector.broadcast %shift_right_arithmetic3A : i32 to vector<2x4096xi32>
    %shift_right_arithmetic3A_7 = arith.shrsi %iota3A, %shift_right_arithmetic3A_6 : vector<2x4096xi32>
    %convert_element_type3A_8 = arith.sitofp %shift_right_arithmetic3A_7 : vector<2x4096xi32> to vector<2x4096xf32>
    %iota3A_9 = tpu.iota {dimensions = array<i32: 0>} : vector<2x4096xi32>
    %eq3A_10 = arith.constant 0 : i32
    %eq3A_11 = vector.broadcast %eq3A_10 : i32 to vector<2x4096xi32>
    %eq3A_12 = arith.cmpi eq, %iota3A_9, %eq3A_11 : vector<2x4096xi32>
    %select_n3A = arith.select %eq3A_12, %convert_element_type3A_5, %convert_element_type3A_8 : vector<2x4096xi1>, vector<2x4096xf32>
    %eq3A_13 = arith.constant 0 : i32
    %eq3A_14 = arith.cmpi eq, %arg1, %eq3A_13 : i32
    %convert_element_type3A_15 = arith.extui %eq3A_14 : i1 to i32
    %cond3A_16 = arith.constant 0 : i32
    %cond3A_17 = arith.cmpi ne, %convert_element_type3A_15, %cond3A_16 : i32
    scf.if %cond3A_17 {
      %get3A_28 = arith.constant 0 : index
      %get3A_29 = arith.constant 0 : index
      %get3A_30 = vector.load %arg5[%get3A_28, %get3A_29] : memref<255x4096xf32, #tpu.memory_space<vmem>>, vector<85x4096xf32>
      %neg3A = arith.constant 0.000000e+00 : f32
      %neg3A_31 = vector.broadcast %neg3A : f32 to vector<85x4096xf32>
      %neg3A_32 = arith.subf %neg3A_31, %get3A_30 : vector<85x4096xf32>
      %exp3A = math.exp %neg3A_32 : vector<85x4096xf32>
      %add3A = arith.constant 1.000000e+00 : f32
      %add3A_33 = vector.broadcast %add3A : f32 to vector<85x4096xf32>
      %add3A_34 = arith.addf %add3A_33, %exp3A : vector<85x4096xf32>
      %div3A = arith.constant 1.000000e+00 : f32
      %div3A_35 = vector.broadcast %div3A : f32 to vector<85x4096xf32>
      %div3A_36 = arith.divf %div3A_35, %add3A_34 : vector<85x4096xf32>
      %swap3A = arith.constant 0 : index
      %swap3A_37 = arith.constant 0 : index
      %swap3A_38 = vector.load %arg4[%swap3A, %swap3A_37] : memref<85x4096xf32, #tpu.memory_space<vmem>>, vector<85x4096xf32>
      tpu.vector_store %arg4[%swap3A, %swap3A_37], %div3A_36 {strides = array<i32>} : memref<85x4096xf32, #tpu.memory_space<vmem>>, vector<85x4096xf32>,
      %slice3A = vector.extract_strided_slice %div3A_36 {offsets = [0, 0], sizes = [2, 4096], strides = [1, 1]} : vector<85x4096xf32> to vector<2x4096xf32>
      %add3A_39 = arith.addf %slice3A, %select_n3A : vector<2x4096xf32>
      %mul3A = vector.broadcast %get3A_0 : f32 to vector<2x4096xf32>
      %mul3A_40 = arith.mulf %add3A_39, %mul3A : vector<2x4096xf32>
      %eq3A_41 = arith.constant 0 : i32
      %eq3A_42 = vector.broadcast %eq3A_41 : i32 to vector<2x4096xi32>
      %eq3A_43 = arith.cmpi eq, %iota3A_9, %eq3A_42 : vector<2x4096xi32>
      %jit3A = arith.constant 1.160000e+02 : f32
      %jit3A_44 = arith.constant 9.000000e+01 : f32
      %broadcast_in_dim3A = vector.broadcast %jit3A : f32 to vector<2x4096xf32>
      %broadcast_in_dim3A_45 = vector.broadcast %jit3A_44 : f32 to vector<2x4096xf32>
      %select_n3A_46 = arith.select %eq3A_43, %broadcast_in_dim3A, %broadcast_in_dim3A_45 : vector<2x4096xi1>, vector<2x4096xf32>
      %slice3A_47 = vector.extract_strided_slice %exp3A {offsets = [2, 0], sizes = [2, 4096], strides = [1, 1]} : vector<85x4096xf32> to vector<2x4096xf32>
      %div3A_48 = arith.divf %select_n3A_46, %slice3A_47 : vector<2x4096xf32>
      %swap3A_49 = arith.constant 0 : index
      %swap3A_50 = arith.constant 0 : index
      %swap3A_51 = vector.load %arg4[%swap3A_49, %swap3A_50] : memref<85x4096xf32, #tpu.memory_space<vmem>>, vector<2x4096xf32>
      tpu.vector_store %arg4[%swap3A_49, %swap3A_50], %mul3A_40 {strides = array<i32>} : memref<85x4096xf32, #tpu.memory_space<vmem>>, vector<2x4096xf32>,
      %swap3A_52 = arith.constant 2 : index
      %swap3A_53 = arith.constant 0 : index
      %swap3A_54 = vector.load %arg4[%swap3A_52, %swap3A_53] : memref<85x4096xf32, #tpu.memory_space<vmem>>, vector<2x4096xf32>
      tpu.vector_store %arg4[%swap3A_52, %swap3A_53], %div3A_48 {strides = array<i32>} : memref<85x4096xf32, #tpu.memory_space<vmem>>, vector<2x4096xf32>,
    } else {
    }
    %eq3A_18 = arith.constant 1 : i32
    %eq3A_19 = arith.cmpi eq, %arg1, %eq3A_18 : i32
    %convert_element_type3A_20 = arith.extui %eq3A_19 : i1 to i32
    %cond3A_21 = arith.constant 0 : i32
    %cond3A_22 = arith.cmpi ne, %convert_element_type3A_20, %cond3A_21 : i32
    scf.if %cond3A_22 {
      %get3A_28 = arith.constant 85 : index
      %get3A_29 = arith.constant 0 : index
      %get3A_30 = vector.load %arg5[%get3A_28, %get3A_29] : memref<255x4096xf32, #tpu.memory_space<vmem>>, vector<85x4096xf32>
      %neg3A = arith.constant 0.000000e+00 : f32
      %neg3A_31 = vector.broadcast %neg3A : f32 to vector<85x4096xf32>
      %neg3A_32 = arith.subf %neg3A_31, %get3A_30 : vector<85x4096xf32>
      %exp3A = math.exp %neg3A_32 : vector<85x4096xf32>
      %add3A = arith.constant 1.000000e+00 : f32
      %add3A_33 = vector.broadcast %add3A : f32 to vector<85x4096xf32>
      %add3A_34 = arith.addf %add3A_33, %exp3A : vector<85x4096xf32>
      %div3A = arith.constant 1.000000e+00 : f32
      %div3A_35 = vector.broadcast %div3A : f32 to vector<85x4096xf32>
      %div3A_36 = arith.divf %div3A_35, %add3A_34 : vector<85x4096xf32>
      %swap3A = arith.constant 0 : index
      %swap3A_37 = arith.constant 0 : index
      %swap3A_38 = vector.load %arg4[%swap3A, %swap3A_37] : memref<85x4096xf32, #tpu.memory_space<vmem>>, vector<85x4096xf32>
      tpu.vector_store %arg4[%swap3A, %swap3A_37], %div3A_36 {strides = array<i32>} : memref<85x4096xf32, #tpu.memory_space<vmem>>, vector<85x4096xf32>,
      %slice3A = vector.extract_strided_slice %div3A_36 {offsets = [0, 0], sizes = [2, 4096], strides = [1, 1]} : vector<85x4096xf32> to vector<2x4096xf32>
      %add3A_39 = arith.addf %slice3A, %select_n3A : vector<2x4096xf32>
      %mul3A = vector.broadcast %get3A_0 : f32 to vector<2x4096xf32>
      %mul3A_40 = arith.mulf %add3A_39, %mul3A : vector<2x4096xf32>
      %eq3A_41 = arith.constant 0 : i32
      %eq3A_42 = vector.broadcast %eq3A_41 : i32 to vector<2x4096xi32>
      %eq3A_43 = arith.cmpi eq, %iota3A_9, %eq3A_42 : vector<2x4096xi32>
      %jit3A = arith.constant 1.560000e+02 : f32
      %jit3A_44 = arith.constant 1.980000e+02 : f32
      %broadcast_in_dim3A = vector.broadcast %jit3A : f32 to vector<2x4096xf32>
      %broadcast_in_dim3A_45 = vector.broadcast %jit3A_44 : f32 to vector<2x4096xf32>
      %select_n3A_46 = arith.select %eq3A_43, %broadcast_in_dim3A, %broadcast_in_dim3A_45 : vector<2x4096xi1>, vector<2x4096xf32>
      %slice3A_47 = vector.extract_strided_slice %exp3A {offsets = [2, 0], sizes = [2, 4096], strides = [1, 1]} : vector<85x4096xf32> to vector<2x4096xf32>
      %div3A_48 = arith.divf %select_n3A_46, %slice3A_47 : vector<2x4096xf32>
      %swap3A_49 = arith.constant 0 : index
      %swap3A_50 = arith.constant 0 : index
      %swap3A_51 = vector.load %arg4[%swap3A_49, %swap3A_50] : memref<85x4096xf32, #tpu.memory_space<vmem>>, vector<2x4096xf32>
      tpu.vector_store %arg4[%swap3A_49, %swap3A_50], %mul3A_40 {strides = array<i32>} : memref<85x4096xf32, #tpu.memory_space<vmem>>, vector<2x4096xf32>,
      %swap3A_52 = arith.constant 2 : index
      %swap3A_53 = arith.constant 0 : index
      %swap3A_54 = vector.load %arg4[%swap3A_52, %swap3A_53] : memref<85x4096xf32, #tpu.memory_space<vmem>>, vector<2x4096xf32>
      tpu.vector_store %arg4[%swap3A_52, %swap3A_53], %div3A_48 {strides = array<i32>} : memref<85x4096xf32, #tpu.memory_space<vmem>>, vector<2x4096xf32>,
    } else {
    }
    %eq3A_23 = arith.constant 2 : i32
    %eq3A_24 = arith.cmpi eq, %arg1, %eq3A_23 : i32
    %convert_element_type3A_25 = arith.extui %eq3A_24 : i1 to i32
    %cond3A_26 = arith.constant 0 : i32
    %cond3A_27 = arith.cmpi ne, %convert_element_type3A_25, %cond3A_26 : i32
    scf.if %cond3A_27 {
      %get3A_28 = arith.constant 170 : index
      %get3A_29 = arith.constant 0 : index
      %get3A_30 = vector.load %arg5[%get3A_28, %get3A_29] : memref<255x4096xf32, #tpu.memory_space<vmem>>, vector<85x4096xf32>
      %neg3A = arith.constant 0.000000e+00 : f32
      %neg3A_31 = vector.broadcast %neg3A : f32 to vector<85x4096xf32>
      %neg3A_32 = arith.subf %neg3A_31, %get3A_30 : vector<85x4096xf32>
      %exp3A = math.exp %neg3A_32 : vector<85x4096xf32>
      %add3A = arith.constant 1.000000e+00 : f32
      %add3A_33 = vector.broadcast %add3A : f32 to vector<85x4096xf32>
      %add3A_34 = arith.addf %add3A_33, %exp3A : vector<85x4096xf32>
      %div3A = arith.constant 1.000000e+00 : f32
      %div3A_35 = vector.broadcast %div3A : f32 to vector<85x4096xf32>
      %div3A_36 = arith.divf %div3A_35, %add3A_34 : vector<85x4096xf32>
      %swap3A = arith.constant 0 : index
      %swap3A_37 = arith.constant 0 : index
      %swap3A_38 = vector.load %arg4[%swap3A, %swap3A_37] : memref<85x4096xf32, #tpu.memory_space<vmem>>, vector<85x4096xf32>
      tpu.vector_store %arg4[%swap3A, %swap3A_37], %div3A_36 {strides = array<i32>} : memref<85x4096xf32, #tpu.memory_space<vmem>>, vector<85x4096xf32>,
      %slice3A = vector.extract_strided_slice %div3A_36 {offsets = [0, 0], sizes = [2, 4096], strides = [1, 1]} : vector<85x4096xf32> to vector<2x4096xf32>
      %add3A_39 = arith.addf %slice3A, %select_n3A : vector<2x4096xf32>
      %mul3A = vector.broadcast %get3A_0 : f32 to vector<2x4096xf32>
      %mul3A_40 = arith.mulf %add3A_39, %mul3A : vector<2x4096xf32>
      %eq3A_41 = arith.constant 0 : i32
      %eq3A_42 = vector.broadcast %eq3A_41 : i32 to vector<2x4096xi32>
      %eq3A_43 = arith.cmpi eq, %iota3A_9, %eq3A_42 : vector<2x4096xi32>
      %jit3A = arith.constant 3.730000e+02 : f32
      %jit3A_44 = arith.constant 3.260000e+02 : f32
      %broadcast_in_dim3A = vector.broadcast %jit3A : f32 to vector<2x4096xf32>
      %broadcast_in_dim3A_45 = vector.broadcast %jit3A_44 : f32 to vector<2x4096xf32>
      %select_n3A_46 = arith.select %eq3A_43, %broadcast_in_dim3A, %broadcast_in_dim3A_45 : vector<2x4096xi1>, vector<2x4096xf32>
      %slice3A_47 = vector.extract_strided_slice %exp3A {offsets = [2, 0], sizes = [2, 4096], strides = [1, 1]} : vector<85x4096xf32> to vector<2x4096xf32>
      %div3A_48 = arith.divf %select_n3A_46, %slice3A_47 : vector<2x4096xf32>
      %swap3A_49 = arith.constant 0 : index
      %swap3A_50 = arith.constant 0 : index
      %swap3A_51 = vector.load %arg4[%swap3A_49, %swap3A_50] : memref<85x4096xf32, #tpu.memory_space<vmem>>, vector<2x4096xf32>
      tpu.vector_store %arg4[%swap3A_49, %swap3A_50], %mul3A_40 {strides = array<i32>} : memref<85x4096xf32, #tpu.memory_space<vmem>>, vector<2x4096xf32>,
      %swap3A_52 = arith.constant 2 : index
      %swap3A_53 = arith.constant 0 : index
      %swap3A_54 = vector.load %arg4[%swap3A_52, %swap3A_53] : memref<85x4096xf32, #tpu.memory_space<vmem>>, vector<2x4096xf32>
      tpu.vector_store %arg4[%swap3A_52, %swap3A_53], %div3A_48 {strides = array<i32>} : memref<85x4096xf32, #tpu.memory_space<vmem>>, vector<2x4096xf32>,
    } else {
    }
    return
  }
  func.func @transform_0(%arg0: i32, %arg1: i32) -> i32 {
    %c0_i32 = arith.constant 0 : i32
    %c0_i32_0 = arith.constant 0 : i32
    return %c0_i32 : i32
  }
  func.func @transform_1(%arg0: i32, %arg1: i32) -> (i32, i32, i32) {
    %c0_i32 = arith.constant 0 : i32
    %c0_i32_0 = arith.constant 0 : i32
    %c0_i32_1 = arith.constant 0 : i32
    return %arg0, %c0_i32, %c0_i32_0 : i32, i32, i32
  }
  func.func @transform_2(%arg0: i32, %arg1: i32) -> (i32, i32) {
    %mul3A = arith.constant 3 : i32
    %mul3A_0 = arith.muli %arg0, %mul3A : i32
    %add3A = arith.addi %mul3A_0, %arg1 : i32
    %c0_i32 = arith.constant 0 : i32
    %c0_i32_1 = arith.constant 0 : i32
    return %c0_i32, %add3A : i32, i32
  }
}

</mosaic_0001>

<sc_bundles>
// kernel: sparse-core-data-format-call.cloned.1.call-start
scs
called_computation_lowered:
.L_overlay_start_0:
0x0: {  	s1 =	sld [smem:$0x3FD9]  }
0x1: {  	s2 =	sld [smem:$0x3FFE];
	_ =	sdelay $0x1  }
0x2: {  	s3 =	srdreg.scid  }
0x3: {  	s0 =	sand.u32 $0x1, s3  }
0x4: {  	s17 =	sshll.u32 s0, $0xA;
	s1 =	sadd.s32 s2, s1  }
0x5: {  	s1 =	sadd.s32 s1, s17  }
0x6: {  	[smem:$0x3FC6] =	sst s1  }
0x7: {  	_ = 	snop  }
0x8: {  	(tm) =	ssettm $0x1  }
0x9: {  	s18 =	sld [smem:$0x3FFB];
	_ =	sdelay $0x3  }
0xa: {  	_ =	strace s18  }
0xb: {  	s1 =	sld [smem:$0x3FFC];
	_ =	sdelay $0x3  }
0xc: {  	_ =	strace s1  }
0xd: {  	s1 =	sld [smem:$0x3FFD];
	_ =	sdelay $0x3  }
0xe: {  	_ =	strace s1  }
0xf: {  	_ =	strace $0x8FFFFFFF  }
0x10: {  	s19 =	sld [smem:$0x3FDB];
	_ =	sdelay $0x1  }
0x11: {  	s20 =	simm.s32 $_scs_section_size  }
0x12: {  	s4 =	simm.s32 $_size__tile_overlayer_lowered;
	s5 =	simm.s32 $_tile_overlayer_lowered  }
0x13: {  	s23 =	simm.s32 $0x1BFF;
	s22 =	sshll.u32 s5, $0x1;
	s1 =	sadd.s32 s20, s19  }
0x14: {  	s6 =	simm.s32 $0x0;
	s21 =	sshll.u32 s4, $0x1;
	s4 =	sadd.s32 s22, s1  }
0x15: {  	[timem:s6], [sflag:s23] =	dma.local [hbm:s4], s21  }
0x16: {  	_ =	swait.ge [sflag:s23], s21  }
0x17: {  	s2 =	ssub.s32 $0x0, s21;
	[sflag:s23] =	ssyncset.done $0x0  }
0x18: {  	[sflag:s23] =	ssyncadd.s32 s2;
	_ =	sdelay $0x1  }
0x19: {  	s24 =	simm.s32 $0x1B8B  }
0x1a: {  	_ =	swait.ge [sflag:s24], $0x1  }
0x1b: {  	[sflag:s24] =	ssyncset.done $0x0  }
0x1c: {  	s26 =	simm.s32 $0x1B8E;
	s25 =	sld [smem:$0x3FFE];
	[sflag:s24] =	ssyncadd.s32 $0xFFFFFFFF  }
0x1d: {  	s27 =	simm.s32 $execute0_lowered;
	[smem:$0x3FD2] =	sst s26  }
0x1e: {  	s4 =	sshll.u32 s27, $0x1;
	_ =	strace $0x80000046;
	[dreg:$0x1] =	wrdreg $0xFFFFFFFF  }
0x1f: {  	s28 =	simm.s32 $_size_execute0_lowered;
	s1 =	sadd.s32 s1, s4;
	[dreg:$0x0] =	wrdreg $0x0  }
0x20: {  	s4 =	sshll.u32 s28, $0x1;
	[dreg:$0x2] =	wrdreg s1  }
0x21: {  	[dreg:$0x3] =	wrdreg s4  }
0x22: {  	[dreg:$0x4] =	wrdreg $0xC0  }
0x23: {  	_ =	task [dreg:s6], $0x5FFFF  }
0x24: {  	[dreg:$0x1] =	wrdreg $0xFFFFFFFF  }
0x25: {  	[dreg:$0x0] =	wrdreg $0x60  }
0x26: {  	[dreg:$0x2] =	wrdreg s25  }
0x27: {  	[dreg:$0x3] =	wrdreg $0x9  }
0x28: {  	_ =	task.clear_ibuf [dreg:s6], $0x4FFFF;
	_ =	strace $0x90000046  }
0x29: {  	s29 =	simm.s32 $0x9;
	_ =	strace $0x80000048  }
0x2a: {  	_ =	swait.ge [sflag:s29], $0x1  }
0x2b: {  	[sflag:s29] =	ssyncadd.s32 $0xFFFFFFFF  }
0x2c: {  	_ =	strace $0x90000048  }
0x2d: {  	_ =	sfence  }
0x2e: {  	s30 =	sld [smem:$0x0];
	_ =	sdelay $0x2  }
0x2f: {  	s31 =	sshll.u32 s3, $0xD;
	s3 =	sshrl.u32 s3, $0x2  }
0x30: {  	s2 =	sand.u32 $0x4000, s31;
	s1 =	sadd.s32 s3, s30  }
0x31: {  	s0 =	sor.u32 s2, s0;
	s1 =	sshll.u32 s1, $0x11  }
0x32: {  	s0 =	sor.u32 s1, s0  }
0x33: {  	s0 =	sadd.s32 $0x8F2B, s0  }
0x34: {  	[sflag:s0] =	ssyncadd.remote.s32 $0x1  }
0x35: {  	_ =	sfence.sel $0xFFFF  }
0x36: {  	[dreg:$0x0] =	wrdreg $0xFFFFFFFF;
	(pc) =	sbr.abs _section_cstart, $3  }
0x37: {  	[dreg:$0x1] =	wrdreg $0xFFFFFFFF  }
0x38: {  	_ =	task.clear_ibuf [dreg:s6], $0x2FFFF;
	_ =	strace $0x9FFFFFFF  }
0x39: {  	(tm) =	ssettm $0x7FFFFFFF  }
tec
execute0_lowered:
.L_overlay_start_1:
0x0: {  	(tag) =	ssettag $0x1  }
0x1: {  	s2 =	stileid.u32;
	s0 =	srdreg.scid  }
0x2: {  	s7 =	rddreg [dreg:$0x0];
	s1 =	sshll.u32 s2, $0x7;
	s0 =	sshll.u32 s0, $0xB  }
0x3: {  	_ =	strace $0x80000047;
	s2 =	sshll.u32 s2, $0x3;
	s0 =	sor.u32 s1, s0  }
0x4: {  	s31 =	simm.s32 $0x2;
	s1 =	sand.u32 $0x8, s2;
	s2 =	sand.u32 $0xF00, s0  }
0x5: {  	s18 =	simm.s32 $0x0;
	s30 =	ssub.s32 $0x10, s1;
	s3 =	ssub.s32 $0x3000, s2  }
0x6: {  	s9 =	simm.s32 $0x30000;
	s4 =	sshrl.u32 s30, $0x4;
	s5 =	sand.u32 $0xF00, s3  }
0x7: {  	s0 =	sshrl.u32 s30, $0x3;
	p0 =	sne.s32 s5, $0x0;
	s5 =	simm.s32 $0x1  }
0x8: {  	s0 =	sand.u32 $0x1, s0;
	s3 =	sshrl.u32 s3, $0xC;
	s5 =	simm.s32 @!p0 $0x0  }
0x9: {  	s10 =	simm.s32 $0x0;
	s0 =	sadd.s32 s4, s0;
	s3 =	sadd.s32 s5, s3  }
0xa: {  	s16 =	simm.s32 $0x0;
	s19 =	simm.s32 $0x0;
	s0 =	smul.u32 s3, s0  }
.Ltmp0:
0xb: {  	s17 =	simm.s32 $0x0;
	s12 =	simm.s32 $0x0;
	(pc) =	sbr.rel .LBB1_1-.Ltmp0, $4  }
0xc: {  	s14 =	simm.s32 $0x0;
	s15 =	simm.s32 $0x0;
	s25 =	simm.s32 $0x0  }
0xd: {  	s6 =	sadd.s32 $0x400, s7;
	s4 =	simm.s32 $0x1;
	s5 =	smul.u32 $0xB, s0  }
0xe: {  	s7 =	sadd.s32 $0x210400, s7;
	s13 =	smov.u32 s1;
	[sflag:s4] =	ssyncpa.u1 $0x0  }
0xf: {  	s11 =	smov.u32 s2;
	[sflag:s31] =	ssyncpa.u1 $0x0;
	s8 =	sadd.s32 $0x1, s5  }
.LBB1_7:
0x10: {  	s0 =	sadd.s32 $0x1000, s11  }
0x11: {  	s3 =	sadd.s32 $0x8, s12;
	s20 =	smov.u32 s12;
	p1 =	sgt.s32 s0, $0x2FFF  }
0x12: {  	s20 =	smov.u32 @p1 s3  }
0x13: {  	s21 =	smov.u32 s13;
	s3 =	sadd.s32 $0x10, s13;
	p2 =	sgt.s32 s20, $0x7  }
0x14: {  	s21 =	smov.u32 @p2 s3  }
0x15: {  	s3 =	simm.s32 $0x1;
	p3 =	sgt.s32 s21, $0xF  }
0x16: {  	s3 =	simm.s32 @!p3 $0x0  }
0x17: {  	p0 =	slt.u32 s15, $0x2;
	s3 =	sadd.s32 s3, s14  }
0x18: {  	s18 =	smov.u32 s11;
	s0 =	smov.u32 @p1 s2;
	p1 =	sgt.s32 s3, $0xA  }
0x19: {  	s16 =	smov.u32 s12;
	s3 =	simm.s32 @p1 $0x0;
	p1 =	sne.s32 s15, s8  }
.Ltmp1:
0x1a: {  	s19 =	smov.u32 s13;
	s22 =	simm.s32 @!p0 $0x2;
	(pc) =	sbr.rel @!p1 .LBB1_8-.Ltmp1, $4  }
0x1b: {  	s17 =	smov.u32 s14;
	s10 =	sadd.s32 $0x4000, s10;
	_ =	swait.ge @!p0 [sflag:s22], $0x4000  }
0x1c: {  	[sflag:s22] =	ssyncset.done @!p0 $0x0;
	s11 =	smov.u32 s0;
	s20 =	simm.s32 @p2 $0x0  }
0x1d: {  	[sflag:s22] =	ssyncadd.s32 @!p0 $0xFFFFC000;
	s12 =	smov.u32 s20;
	s21 =	smov.u32 @p3 s1  }
0x1e: {  	s13 =	smov.u32 s21;
	s15 =	sadd.s32 $0x1, s15;
	s14 =	smov.u32 s3  }
.LBB1_1:
0x1f: {  	p0 =	sge.u32 s15, s5  }
0x20: {  	s0 =	sshrl.u32 @!p0 s12, $0x3  }
0x21: {  	s3 =	sshll.u32 @!p0 s11, $0x3;
	s20 =	sshll.u32 @!p0 s12, $0x7;
	s0 =	smul.u32 @!p0 $0x18000, s0  }
0x22: {  	s21 =	sand.u32 @!p0 $0x7F, s11;
	s3 =	sand.u32 @!p0 $0xFFFFFC00, s3;
	s20 =	sand.u32 @!p0 $0x380, s20  }
0x23: {  	s0 =	sadd.s32 @!p0 s0, s3;
	s3 =	sor.u32 @!p0 s21, s20  }
0x24: {  	s3 =	sor.u32 @!p0 s0, s3  }
0x25: {  	s20 =	smulhi.u32 @!p0 $0xAAAAAAAB, s3  }
0x26: {  	s0 =	smulhi.u32 @!p0 $0xAAAAAAAB, s0  }
0x27: {  	s31 =	sadd.s32 $0xFFFFFFFF, s15;
	s22 =	smul.u32 @!p0 $0x30000, s14;
	s20 =	sshrl.u32 @!p0 s20, $0xD  }
0x28: {  	s21 =	sxor.u32 @!p0 $0xFFFFFFFF, s15;
	s0 =	sshrl.u32 @!p0 s0, $0xD;
	s20 =	smul.u32 @!p0 $0x3000, s20  }
0x29: {  	s23 =	smul.u32 @!p0 $0x3000, s13;
	s21 =	sshll.u32 @!p0 s21, $0xE;
	s0 =	sand.u32 @!p0 $0x7, s0  }
0x2a: {  	s0 =	smul.u32 @!p0 $0x600, s0;
	s3 =	ssub.s32 @!p0 s3, s20;
	s20 =	sadd.s32 @!p0 s6, s22  }
0x2b: {  	s21 =	sand.u32 @!p0 $0x4000, s21;
	s20 =	sadd.s32 @!p0 s23, s20;
	s22 =	sand.u32 @!p0 $0x7, s3  }
0x2c: {  	s3 =	sshrl.u32 @!p0 s3, $0x3;
	s0 =	sadd.s32 @!p0 s0, s20;
	s20 =	sshll.u32 @!p0 s22, $0x12  }
0x2d: {  	s0 =	sadd.s32 @!p0 s3, s0;
	s3 =	sor.u32 @!p0 $0x800, s20;
	s20 =	simm.s32 @!p0 $0x18000  }
0x2e: {  	[tilespmem:s21], [sflag:$0x1] =	stream.strided.gather @!p0 [hbm4b:s0+s3], $0x4000, s20, s3, $0x38;
	[tilespmem:$0x10000] =	vst v63  }
0x2f: {  	p0 =	sge.u32 s31, s5  }
.Ltmp2:
0x30: {  	_ = 	snop;
	(pc) =	sbr.rel @p0 .LBB1_7-.Ltmp2, $1  }
0x31: {  	_ =	sdelay $0x3  }
0x32: {  	s0 =	sshll.u32 s10, $0x2;
	_ =	swait.ge [sflag:s4], $0x4000;
	s3 =	sshll.u32 s15, $0xE  }
0x33: {  	p0 =	por $0x0, $0x0;
	s26 =	simm.s32 $0x0;
	s27 =	simm.s32 $0x0  }
0x34: {  	s0 =	sand.u32 $0x10000, s0;
	[sflag:s4] =	ssyncset.done $0x0;
	s23 =	sand.u32 $0x4000, s3  }
0x35: {  	s0 =	sshrl.u32 s0, $0x2;
	[sflag:s4] =	ssyncadd.s32 $0xFFFFC000;
	s20 =	sor.u32 $0x8000, s23  }
0x36: {  	s21 =	sor.u32 $0x40, s0;
	s22 =	sor.u32 $0x8410, s0;
	s24 =	sadd.s32 $0x8400, s0  }
.LBB1_3:
0x37: {  	v1 =	vld [tilespmem:s21+$0xFFFFFFD0]  }
0x38: {  	v2 =	vld [tilespmem:s21+$0x430]  }
0x39: {  	s0 =	sshll.u32 s27, $0xB;
	v4 =	vld [tilespmem:s21+$0xFFFFFFE0]  }
0x3a: {  	v7 =	vld [tilespmem:s21+$0xFFFFFFF0];
	v0 =	vmov s0  }
0x3b: {  	v8 =	vld [tilespmem:s21+$0x0]  }
0x3c: {  	v9 =	vld [tilespmem:s21+$0x10];
	s0 =	sand.u32 $0x300, s25  }
0x3d: {  	s3 =	sand.u32 $0x80, s25;
	v10 =	vld [tilespmem:s21+$0x20];
	s0 =	sadd.s32 s0, s23  }
0x3e: {  	v11 =	vld [tilespmem:s21+$0x30];
	s0 =	sadd.s32 s3, s0;
	s3 =	simm.s32 $0x1;
	[tilespmem:s22+$0x60] =	vst v2  }
0x3f: {  	s3 =	simm.s32 @!p0 $0x0;
	[tilespmem:s22+$0xFFFFFC00] =	vst v1;
	v3 =	vld.idx.msk [tilespmem:v0+s0+$0x400 ss:$0x1], $0xffff;
	s0 =	sshll.u32 s26, $0x2  }
0x40: {  	v6 =	vld [tilespmem:s21+$0x3D0];
	s3 =	sshll.u32 s3, $0x9;
	[tilespmem:s22+$0xFFFFFC10] =	vst v4;
	s0 =	sand.u32 $0xFFFFFC00, s0  }
0x41: {  	v5 =	vld [tilespmem:s21+$0x3E0];
	[tilespmem:s22+$0xFFFFFC20] =	vst v7;
	s0 =	sor.u32 s3, s0  }
0x42: {  	[tilespmem:s22+$0xFFFFFC30] =	vst v8;
	v4 =	vld [tilespmem:s21+$0x400];
	s0 =	sshrl.u32 s0, $0x2  }
0x43: {  	[tilespmem:s22+$0xFFFFFC40] =	vst v9;
	v1 =	vld [tilespmem:s21+$0x410];
	s28 =	sadd.s32 s0, s24  }
0x44: {  	[tilespmem:s28+$0x0] =	vst v3;
	v3 =	vld [tilespmem:s21+$0x3F0]  }
0x45: {  	s31 =	simm.s32 $0x100;
	[tilespmem:s22+$0xFFFFFC50] =	vst v10;
	v2 =	vld [tilespmem:s21+$0x420];
	s3 =	simm.s32 $0x80  }
0x46: {  	s29 =	sadd.s32 $0x80, s21;
	s30 =	smov.u32 s22;
	v7 =	vld [tilespmem:s21+$0xFFFFFFC0];
	[tilespmem:s22+$0xFFFFFC60] =	vst v11;
	s0 =	sand.u32 $0x300, s3  }
.LBB1_4:
0x47: {  	p1 =	sne.s32 s31, $0x380;
	v8 =	vld [tilespmem:s29+$0xFFFFFFD0];
	s3 =	sand.u32 $0x80, s3;
	s0 =	sadd.s32 s0, s23;
	[tilespmem:s30+$0x0] =	vst v6  }
0x48: {  	s0 =	sadd.s32 s3, s0;
	v6 =	vld [tilespmem:s29+$0x430];
	[tilespmem:s30+$0x10] =	vst v5;
	s3 =	smov.u32 s31  }
0x49: {  	v5 =	vld.idx.msk [tilespmem:v0+s0+$0x400 ss:$0x1], $0xffff;
	[tilespmem:s30+$0x20] =	vst v3  }
0x4a: {  	v3 =	vld [tilespmem:s29+$0xFFFFFFE0];
	[tilespmem:s30+$0x30] =	vst v4  }
0x4b: {  	v4 =	vld [tilespmem:s29+$0xFFFFFFF0];
	[tilespmem:s30+$0xFFFFFBF0] =	vst v7  }
0x4c: {  	v7 =	vld [tilespmem:s29+$0x0];
	[tilespmem:s30+$0x40] =	vst v1  }
0x4d: {  	v1 =	vld [tilespmem:s29+$0x10];
	[tilespmem:s30+$0x50] =	vst v2;
	s30 =	sadd.s32 $0x800, s30  }
0x4e: {  	s28 =	sadd.s32 $0x800, s28;
	v2 =	vld [tilespmem:s29+$0x20];
	[tilespmem:s30+$0x60] =	vst v6  }
0x4f: {  	v9 =	vld [tilespmem:s29+$0x30];
	[tilespmem:s28+$0x0] =	vst v5  }
0x50: {  	[tilespmem:s30+$0xFFFFFC00] =	vst v8;
	v6 =	vld [tilespmem:s29+$0x3D0]  }
0x51: {  	[tilespmem:s30+$0xFFFFFC10] =	vst v3;
	v5 =	vld [tilespmem:s29+$0x3E0]  }
.Ltmp3:
0x52: {  	[tilespmem:s30+$0xFFFFFC20] =	vst v4;
	v3 =	vld [tilespmem:s29+$0x3F0];
	(pc) =	sbr.rel @p1 .LBB1_4-.Ltmp3, $4  }
0x53: {  	[tilespmem:s30+$0xFFFFFC30] =	vst v7;
	v4 =	vld [tilespmem:s29+$0x400]  }
0x54: {  	[tilespmem:s30+$0xFFFFFC40] =	vst v1;
	v1 =	vld [tilespmem:s29+$0x410]  }
0x55: {  	[tilespmem:s30+$0xFFFFFC50] =	vst v2;
	v2 =	vld [tilespmem:s29+$0x420]  }
0x56: {  	s31 =	sadd.s32 $0x80, s31;
	s0 =	sand.u32 $0x300, s3;
	v7 =	vld [tilespmem:s29+$0xFFFFFFC0];
	[tilespmem:s30+$0xFFFFFC60] =	vst v9;
	s29 =	sadd.s32 $0x80, s29  }
0x57: {  	[tilespmem:s30+$0x0] =	vst v6  }
0x58: {  	[tilespmem:s30+$0x10] =	vst v5  }
0x59: {  	v49 =	vld [tilespmem:s29+$0x430];
	[tilespmem:s30+$0x20] =	vst v3  }
0x5a: {  	v50 =	vld [tilespmem:s29+$0xFFFFFFD0];
	[tilespmem:s30+$0x30] =	vst v4  }
0x5b: {  	v51 =	vld [tilespmem:s29+$0xFFFFFFE0];
	[tilespmem:s30+$0x40] =	vst v1  }
0x5c: {  	v52 =	vld [tilespmem:s29+$0xFFFFFFF0];
	[tilespmem:s30+$0x50] =	vst v2  }
0x5d: {  	v53 =	vld [tilespmem:s29+$0x0];
	[tilespmem:s30+$0xFFFFFBF0] =	vst v7;
	s30 =	sadd.s32 $0x800, s30  }
0x5e: {  	v54 =	vld [tilespmem:s29+$0x10];
	[tilespmem:s30+$0x60] =	vst v49  }
0x5f: {  	v55 =	vld [tilespmem:s29+$0x20];
	[tilespmem:s30+$0xFFFFFC00] =	vst v50  }
0x60: {  	v56 =	vld [tilespmem:s29+$0x30];
	[tilespmem:s30+$0xFFFFFC10] =	vst v51  }
0x61: {  	v57 =	vld [tilespmem:s29+$0x3D0];
	[tilespmem:s30+$0xFFFFFC20] =	vst v52  }
0x62: {  	v58 =	vld [tilespmem:s29+$0x3E0];
	[tilespmem:s30+$0xFFFFFC30] =	vst v53  }
0x63: {  	v59 =	vld [tilespmem:s29+$0x3F0];
	[tilespmem:s30+$0xFFFFFC40] =	vst v54  }
0x64: {  	v60 =	vld [tilespmem:s29+$0x400];
	[tilespmem:s30+$0xFFFFFC50] =	vst v55  }
0x65: {  	v61 =	vld [tilespmem:s29+$0xFFFFFFC0];
	[tilespmem:s30+$0xFFFFFC60] =	vst v56  }
0x66: {  	s3 =	sand.u32 $0x80, s3;
	s0 =	sadd.s32 s0, s23;
	v62 =	vld [tilespmem:s29+$0x410];
	[tilespmem:s30+$0x0] =	vst v57  }
0x67: {  	v63 =	vld [tilespmem:s29+$0x420];
	s27 =	sadd.s32 $0x1, s27;
	s0 =	sadd.s32 s3, s0;
	[tilespmem:s30+$0x10] =	vst v58  }
0x68: {  	p1 =	sne.s32 s27, $0x8;
	v0 =	vld.idx.msk [tilespmem:v0+s0+$0x400 ss:$0x1], $0xffff;
	[tilespmem:s30+$0x20] =	vst v59  }
.Ltmp4:
0x69: {  	[tilespmem:s30+$0x30] =	vst v60;
	(pc) =	sbr.rel @p1 .LBB1_3-.Ltmp4, $4  }
0x6a: {  	[tilespmem:s30+$0xFFFFFBF0] =	vst v61  }
0x6b: {  	[tilespmem:s30+$0x40] =	vst v62  }
0x6c: {  	s31 =	sadd.s32 $0x800, s28;
	s21 =	sadd.s32 $0x800, s21;
	[tilespmem:s30+$0x50] =	vst v63  }
0x6d: {  	s26 =	sadd.s32 $0x80, s26;
	p0 =	por !p0, !p0;
	s22 =	sadd.s32 $0x80, s22;
	[tilespmem:s31+$0x0] =	vst v0  }
0x6e: {  	s0 =	sshrl.u32 s19, $0x3  }
0x6f: {  	s3 =	sshll.u32 s18, $0x3;
	s24 =	sshll.u32 s19, $0x7;
	s0 =	smul.u32 $0x18000, s0  }
0x70: {  	s26 =	sand.u32 $0x7F, s18;
	s3 =	sand.u32 $0xFFFFFC00, s3;
	s19 =	sand.u32 $0x380, s24  }
0x71: {  	s27 =	sor.u32 s19, s26;
	s0 =	sadd.s32 s0, s3  }
0x72: {  	s3 =	sor.u32 s0, s27;
	s0 =	smulhi.u32 $0xAAAAAAAB, s0  }
0x73: {  	s28 =	smulhi.u32 $0xAAAAAAAB, s3  }
0x74: {  	s17 =	smul.u32 $0x30000, s17  }
0x75: {  	s16 =	smul.u32 $0x6000, s16;
	s0 =	sshrl.u32 s0, $0xD;
	s18 =	sshrl.u32 s28, $0xD  }
0x76: {  	s0 =	sand.u32 $0xF, s0;
	s18 =	smul.u32 $0x3000, s18  }
0x77: {  	s0 =	smul.u32 $0x600, s0  }
.Ltmp5:
0x78: {  	s17 =	sadd.s32 s7, s17;
	s3 =	ssub.s32 s3, s18;
	(pc) =	sbr.rel .LBB1_7-.Ltmp5, $4  }
0x79: {  	s16 =	sadd.s32 s16, s17;
	s29 =	sand.u32 $0x7, s3  }
0x7a: {  	s0 =	sadd.s32 s0, s16;
	s3 =	sshrl.u32 s3, $0x3;
	s30 =	sshll.u32 s29, $0x12  }
0x7b: {  	s0 =	sadd.s32 s3, s0;
	s31 =	sor.u32 $0x800, s30  }
0x7c: {  	[hbm4b:s0+s31] =	stream.strided.scatter [tilespmem:s20], [sflag:$0x2], $0x4000, s9, s31, $0x38;
	[tilespmem:$0x10000] =	vst v63  }
.LBB1_8:
0x7d: {  	_ =	sfence.sel $0x180000  }
0x7e: {  	s0 =	simm.s32 $0x1;
	[bflag:$0x0] =	sbarrier.arrive $0xFFFF  }
0x7f: {  	s30 =	simm.s32 $0x2;
	[sflag:s0] =	ssyncpa.u1 $0x1  }
0x80: {  	[sflag:s30] =	ssyncpa.u1 $0x1  }
0x81: {  	_ =	strace $0x90000047  }
0x82: {  	s31 =	stileid.u32;
	[bflag:$0x2] =	sbarrier.arrive $0xFFFF  }
0x83: {  	p0 =	sne.s32 s31, $0x0;
	s0 =	rddreg [dreg:$0x1]  }
0x84: {  	s0 =	sadd.s32 @!p0 $0x100000, s0  }
0x85: {  	[sflag:s0] =	ssyncadd.tile.s32 @!p0 $0x1;
	_ =	shalt  }
.Lfunc_end1:
_tile_overlayer_lowered:
.L_overlay_start_2:
0x86: {  	(tag) =	ssettag $0x2  }
0x87: {  	s0 =	rddreg [dreg:$0x0];
	s2 =	stileid.u32  }
0x88: {  	s1 =	rddreg [dreg:$0x1];
	p0 =	sne.s32 s2, $0x0  }
0x89: {  	s3 =	rddreg [dreg:$0x2];
	[bflag:$0x3] =	sbarrier.arrive $0xFFFF;
	s2 =	simm.s32 @!p0 $0x1C01  }
0x8a: {  	[timem:s3], [sflag:s2] =	dma.local @!p0 [hbm:s0], s1  }
0x8b: {  	s0 =	simm.s32 @!p0 $0x1  }
0x8c: {  	_ =	swait.ge @!p0 [sflag:s0], s1  }
0x8d: {  	s1 =	ssub.s32 @!p0 $0x0, s1;
	[sflag:s0] =	ssyncset.done @!p0 $0x0  }
0x8e: {  	[sflag:s0] =	ssyncadd.s32 @!p0 s1  }
0x8f: {  	[bflag:$0x3] =	sbarrier.arrive $0xFFFF  }
0x90: {  	_ =	shalt  }

</sc_bundles>
